<compile_context>
chip_gen: v7x
topology: tpu7x:2x2x1
jax: 0.10.2.dev20260603
libtpu: 0.0.44.dev20260713+nightly
codegen_flags: <defaults>
</compile_context>

<pallas_src>
import functools

import jax
import jax.numpy as jnp
from jax import lax
from jax.experimental import pallas as pl
from jax.experimental.pallas import tpu as pltpu
from jax.experimental.pallas import tpu_sc as plsc

VOCAB = 100000
DIM = 128
NUM_CLASSES = 2
L = 16384

_info = plsc.get_sparse_core_info()
NC, NS, LANES = _info.num_cores, _info.num_subcores, _info.num_lanes
NW = NC * NS
PER_W = L // NW
CHUNK = 64
CHUNKS = PER_W // CHUNK
VPR = DIM // LANES


RU = 4


def _gather_sum_body(xr_hbm, table_hbm, out_hbm, idx_v, rows_v, acc_v, *sems):
    wid = lax.axis_index("s") * NC + lax.axis_index("c")
    icp = pltpu.async_copy(xr_hbm.at[wid], idx_v, sems[CHUNKS])
    zero = jnp.zeros((LANES,), jnp.float32)

    def zbody(r, c):
        for k in range(VPR):
            rows_v[r, pl.ds(k * LANES, LANES)] = zero
        return c

    plsc.parallel_loop(0, CHUNK, carry=(jnp.int32(0),), unroll=RU)(
        lambda r, c: (zbody(r, c[0]),))
    icp.wait()

    cps = [
        pltpu.async_copy(table_hbm.at[idx_v.at[j]], rows_v, sems[j], add=True)
        for j in range(CHUNKS)
    ]
    for j in range(CHUNKS):
        cps[j].wait()

    accs = tuple(jnp.zeros((LANES,), jnp.float32) for _ in range(VPR))

    def body(r, a):
        return tuple(a[k] + rows_v[r, pl.ds(k * LANES, LANES)]
                     for k in range(VPR))

    accs = plsc.parallel_loop(0, CHUNK, carry=accs, unroll=RU)(body)

    for k in range(VPR):
        acc_v[pl.ds(k * LANES, LANES)] = accs[k]

    pltpu.sync_copy(acc_v, out_hbm.at[wid])


_gather_sum = functools.partial(
    pl.kernel,
    out_type=jax.ShapeDtypeStruct((NW, DIM), jnp.float32),
    mesh=plsc.VectorSubcoreMesh(core_axis_name="c", subcore_axis_name="s"),
    scratch_types=[
        pltpu.VMEM((CHUNKS, CHUNK), jnp.int32),
        pltpu.VMEM((CHUNK, DIM), jnp.float32),
        pltpu.VMEM((DIM,), jnp.float32),
    ] + [pltpu.SemaphoreType.DMA] * (CHUNKS + 1),
)(_gather_sum_body)


def _tail_body(p_ref, w_ref, b_ref, o_ref):
    s = jnp.sum(p_ref[...], axis=0, keepdims=True) * (1.0 / L)
    h = jnp.maximum(s, 0.0)
    logits = lax.dot_general(h, w_ref[...], (((1,), (1,)), ((), ())))
    logits = logits + b_ref[...]
    mx = jnp.max(logits, axis=1, keepdims=True)
    lse = mx + jnp.log(jnp.sum(jnp.exp(logits - mx), axis=1, keepdims=True))
    o_ref[...] = logits - lse


_tail = pl.pallas_call(
    _tail_body,
    out_shape=jax.ShapeDtypeStruct((1, NUM_CLASSES), jnp.float32),
)


def kernel(x, emb_table, W, b):
    xr = x.reshape(NW, CHUNKS, CHUNK).astype(jnp.int32)
    partials = _gather_sum(xr, emb_table)
    return _tail(partials, W, b.reshape(1, NUM_CLASSES))

# --- scband reference (transcript-rebuilt; emitter-appended) ---
"""Pipeline reference for scband-ffnn-45140106281116 (READ-ONLY COPY).

The authoritative reference and input builder live on the scoring server;
editing this copy changes nothing except your own understanding.
"""

import jax, jax.numpy as jnp
import numpy as np

VOCAB = 100000
DIM = 128
NUM_CLASSES = 2
L = 16384

def setup_inputs(seed: int = 0) -> dict:
    key = jax.random.key(seed)
    k1, k2, k3 = jax.random.split(key, 3)
    x = jax.random.randint(k1, (L,), 0, VOCAB)
    emb_table = jax.random.normal(k2, (VOCAB, DIM), dtype=jnp.float32)
    limit = float(np.sqrt(6.0 / (DIM + NUM_CLASSES)))
    W = jax.random.uniform(k3, (NUM_CLASSES, DIM), minval=-limit, maxval=limit, dtype=jnp.float32)
    b = jnp.zeros((NUM_CLASSES,), dtype=jnp.float32)
    return {"x": x, "emb_table": emb_table, "W": W, "b": b}

def reference(x, emb_table, W, b):
    # x[x == -1] = 1
    xx = jnp.where(x == -1, 1, x)
    # x = x.unsqueeze(0) -> [1, L]
    xx = xx[None, :]
    # embedding lookup (frozen table) -> [1, L, D]
    e = jnp.take(emb_table, xx, axis=0)
    # mean over sequence dim -> [1, D]
    m = jnp.mean(e, axis=1)
    # ReLU
    h = jax.nn.relu(m)
    # Linear -> [1, num_classes]
    logits = h @ W.T + b
    # LogSoftmax(dim=1)
    return jax.nn.log_softmax(logits, axis=1)

if __name__ == "__main__":
    import jax
    _d = setup_inputs()
    print(jax.jit(kernel)(*tuple(_d.values())))

</pallas_src>

<mosaic_0001>
#map = affine_map<(d0, d1) -> (0, 0, 0)>
#map1 = affine_map<(d0, d1) -> (0, 0)>
module attributes {stable_mosaic.version = 14 : i64} {
  func.func @_gather_sum_body(%arg0: i32, %arg1: i32, %arg2: memref<32x8x64xi32, #tpu.memory_space<hbm>>, %arg3: memref<100000x128xf32, #tpu.memory_space<hbm>>, %arg4: memref<32x128xf32, #tpu.memory_space<hbm>>, %arg5: memref<8x64xi32, #tpu.memory_space<vmem>>, %arg6: memref<64x128xf32, #tpu.memory_space<vmem>>, %arg7: memref<128xf32, #tpu.memory_space<vmem>>, %arg8: memref<!tpu.dma_semaphore, #tpu.memory_space<semaphore_mem>>, %arg9: memref<!tpu.dma_semaphore, #tpu.memory_space<semaphore_mem>>, %arg10: memref<!tpu.dma_semaphore, #tpu.memory_space<semaphore_mem>>, %arg11: memref<!tpu.dma_semaphore, #tpu.memory_space<semaphore_mem>>, %arg12: memref<!tpu.dma_semaphore, #tpu.memory_space<semaphore_mem>>, %arg13: memref<!tpu.dma_semaphore, #tpu.memory_space<semaphore_mem>>, %arg14: memref<!tpu.dma_semaphore, #tpu.memory_space<semaphore_mem>>, %arg15: memref<!tpu.dma_semaphore, #tpu.memory_space<semaphore_mem>>, %arg16: memref<!tpu.dma_semaphore, #tpu.memory_space<semaphore_mem>>) attributes {dimension_semantics = [#tpu.dimension_semantics<core_parallel>, #tpu.dimension_semantics<subcore_parallel>], iteration_bounds = array<i64: 2, 16>, scalar_prefetch = 0 : i64, scratch_operands = 12 : i64, tpu.core_type = #tpu.core_type<sc_vector_subcore>, window_params = [{transform_indices = #map}, {transform_indices = #map1}, {transform_indices = #map1}]} {
    %mul3A = arith.constant 2 : i32
    %mul3A_0 = arith.muli %arg1, %mul3A : i32
    %add3A = arith.addi %mul3A_0, %arg0 : i32
    %dma_start3A = arith.constant 0 : i32
    %dma_start3A_1 = arith.constant 0 : i32
    %dma_start3A_2 = tpu.memref_slice %arg2[%add3A, %dma_start3A, %dma_start3A_1] : memref<32x8x64xi32, #tpu.memory_space<hbm>> -> memref<1x8x64xi32, #tpu.memory_space<hbm>>
    %dma_start3A_3 = tpu.memref_squeeze %dma_start3A_2 : memref<1x8x64xi32, #tpu.memory_space<hbm>> -> memref<8x64xi32, #tpu.memory_space<hbm>>
    %dma_start3A_4 = arith.constant 0 : i32
    %dma_start3A_5 = arith.constant 0 : i32
    %dma_start3A_6 = tpu.memref_slice %arg2[%add3A, %dma_start3A_4, %dma_start3A_5] : memref<32x8x64xi32, #tpu.memory_space<hbm>> -> memref<1x8x64xi32, #tpu.memory_space<hbm>>
    %dma_start3A_7 = tpu.memref_squeeze %dma_start3A_6 : memref<1x8x64xi32, #tpu.memory_space<hbm>> -> memref<8x64xi32, #tpu.memory_space<hbm>>
    tpu.enqueue_dma source(%dma_start3A_7 : memref<8x64xi32, #tpu.memory_space<hbm>>) target(%arg5 : memref<8x64xi32, #tpu.memory_space<vmem>>) target_semaphore(%arg16 : memref<!tpu.dma_semaphore, #tpu.memory_space<semaphore_mem>>)
    %broadcast_in_dim3A = arith.constant 0.000000e+00 : f32
    %broadcast_in_dim3A_8 = vector.broadcast %broadcast_in_dim3A : f32 to vector<16xf32>
    %parallel_loop3A = arith.constant 0 : i32
    %parallel_loop3A_9 = arith.constant 64 : i32
    %parallel_loop3A_10 = arith.constant 1 : i32
    %parallel_loop3A_11 = arith.constant 0 : i32
    %parallel_loop3A_12 = scf.for %parallel_loop3A_183 = %parallel_loop3A to %parallel_loop3A_9 step %parallel_loop3A_10 iter_args(%parallel_loop3A_184 = %parallel_loop3A_11) -> (i32)  : i32 {
      %parallel_loop3A_185 = arith.index_cast %parallel_loop3A_183 : i32 to index
      %parallel_loop3A_186 = arith.constant 0 : index
      %parallel_loop3A_187 = tpu.vector_load %arg6[%parallel_loop3A_185, %parallel_loop3A_186] {strides = array<i32>} : memref<64x128xf32, #tpu.memory_space<vmem>>, vector<1x16xf32>,
      %parallel_loop3A_188 = vector.shape_cast %parallel_loop3A_187 : vector<1x16xf32> to vector<16xf32>
      %parallel_loop3A_189 = vector.shape_cast %broadcast_in_dim3A_8 : vector<16xf32> to vector<1x16xf32>
      tpu.vector_store %arg6[%parallel_loop3A_185, %parallel_loop3A_186], %parallel_loop3A_189 {strides = array<i32>} : memref<64x128xf32, #tpu.memory_space<vmem>>, vector<1x16xf32>,
      %parallel_loop3A_190 = arith.index_cast %parallel_loop3A_183 : i32 to index
      %parallel_loop3A_191 = arith.constant 16 : index
      %parallel_loop3A_192 = tpu.vector_load %arg6[%parallel_loop3A_190, %parallel_loop3A_191] {strides = array<i32>} : memref<64x128xf32, #tpu.memory_space<vmem>>, vector<1x16xf32>,
      %parallel_loop3A_193 = vector.shape_cast %parallel_loop3A_192 : vector<1x16xf32> to vector<16xf32>
      %parallel_loop3A_194 = vector.shape_cast %broadcast_in_dim3A_8 : vector<16xf32> to vector<1x16xf32>
      tpu.vector_store %arg6[%parallel_loop3A_190, %parallel_loop3A_191], %parallel_loop3A_194 {strides = array<i32>} : memref<64x128xf32, #tpu.memory_space<vmem>>, vector<1x16xf32>,
      %parallel_loop3A_195 = arith.index_cast %parallel_loop3A_183 : i32 to index
      %parallel_loop3A_196 = arith.constant 32 : index
      %parallel_loop3A_197 = tpu.vector_load %arg6[%parallel_loop3A_195, %parallel_loop3A_196] {strides = array<i32>} : memref<64x128xf32, #tpu.memory_space<vmem>>, vector<1x16xf32>,
      %parallel_loop3A_198 = vector.shape_cast %parallel_loop3A_197 : vector<1x16xf32> to vector<16xf32>
      %parallel_loop3A_199 = vector.shape_cast %broadcast_in_dim3A_8 : vector<16xf32> to vector<1x16xf32>
      tpu.vector_store %arg6[%parallel_loop3A_195, %parallel_loop3A_196], %parallel_loop3A_199 {strides = array<i32>} : memref<64x128xf32, #tpu.memory_space<vmem>>, vector<1x16xf32>,
      %parallel_loop3A_200 = arith.index_cast %parallel_loop3A_183 : i32 to index
      %parallel_loop3A_201 = arith.constant 48 : index
      %parallel_loop3A_202 = tpu.vector_load %arg6[%parallel_loop3A_200, %parallel_loop3A_201] {strides = array<i32>} : memref<64x128xf32, #tpu.memory_space<vmem>>, vector<1x16xf32>,
      %parallel_loop3A_203 = vector.shape_cast %parallel_loop3A_202 : vector<1x16xf32> to vector<16xf32>
      %parallel_loop3A_204 = vector.shape_cast %broadcast_in_dim3A_8 : vector<16xf32> to vector<1x16xf32>
      tpu.vector_store %arg6[%parallel_loop3A_200, %parallel_loop3A_201], %parallel_loop3A_204 {strides = array<i32>} : memref<64x128xf32, #tpu.memory_space<vmem>>, vector<1x16xf32>,
      %parallel_loop3A_205 = arith.index_cast %parallel_loop3A_183 : i32 to index
      %parallel_loop3A_206 = arith.constant 64 : index
      %parallel_loop3A_207 = tpu.vector_load %arg6[%parallel_loop3A_205, %parallel_loop3A_206] {strides = array<i32>} : memref<64x128xf32, #tpu.memory_space<vmem>>, vector<1x16xf32>,
      %parallel_loop3A_208 = vector.shape_cast %parallel_loop3A_207 : vector<1x16xf32> to vector<16xf32>
      %parallel_loop3A_209 = vector.shape_cast %broadcast_in_dim3A_8 : vector<16xf32> to vector<1x16xf32>
      tpu.vector_store %arg6[%parallel_loop3A_205, %parallel_loop3A_206], %parallel_loop3A_209 {strides = array<i32>} : memref<64x128xf32, #tpu.memory_space<vmem>>, vector<1x16xf32>,
      %parallel_loop3A_210 = arith.index_cast %parallel_loop3A_183 : i32 to index
      %parallel_loop3A_211 = arith.constant 80 : index
      %parallel_loop3A_212 = tpu.vector_load %arg6[%parallel_loop3A_210, %parallel_loop3A_211] {strides = array<i32>} : memref<64x128xf32, #tpu.memory_space<vmem>>, vector<1x16xf32>,
      %parallel_loop3A_213 = vector.shape_cast %parallel_loop3A_212 : vector<1x16xf32> to vector<16xf32>
      %parallel_loop3A_214 = vector.shape_cast %broadcast_in_dim3A_8 : vector<16xf32> to vector<1x16xf32>
      tpu.vector_store %arg6[%parallel_loop3A_210, %parallel_loop3A_211], %parallel_loop3A_214 {strides = array<i32>} : memref<64x128xf32, #tpu.memory_space<vmem>>, vector<1x16xf32>,
      %parallel_loop3A_215 = arith.index_cast %parallel_loop3A_183 : i32 to index
      %parallel_loop3A_216 = arith.constant 96 : index
      %parallel_loop3A_217 = tpu.vector_load %arg6[%parallel_loop3A_215, %parallel_loop3A_216] {strides = array<i32>} : memref<64x128xf32, #tpu.memory_space<vmem>>, vector<1x16xf32>,
      %parallel_loop3A_218 = vector.shape_cast %parallel_loop3A_217 : vector<1x16xf32> to vector<16xf32>
      %parallel_loop3A_219 = vector.shape_cast %broadcast_in_dim3A_8 : vector<16xf32> to vector<1x16xf32>
      tpu.vector_store %arg6[%parallel_loop3A_215, %parallel_loop3A_216], %parallel_loop3A_219 {strides = array<i32>} : memref<64x128xf32, #tpu.memory_space<vmem>>, vector<1x16xf32>,
      %parallel_loop3A_220 = arith.index_cast %parallel_loop3A_183 : i32 to index
      %parallel_loop3A_221 = arith.constant 112 : index
      %parallel_loop3A_222 = tpu.vector_load %arg6[%parallel_loop3A_220, %parallel_loop3A_221] {strides = array<i32>} : memref<64x128xf32, #tpu.memory_space<vmem>>, vector<1x16xf32>,
      %parallel_loop3A_223 = vector.shape_cast %parallel_loop3A_222 : vector<1x16xf32> to vector<16xf32>
      %parallel_loop3A_224 = vector.shape_cast %broadcast_in_dim3A_8 : vector<16xf32> to vector<1x16xf32>
      tpu.vector_store %arg6[%parallel_loop3A_220, %parallel_loop3A_221], %parallel_loop3A_224 {strides = array<i32>} : memref<64x128xf32, #tpu.memory_space<vmem>>, vector<1x16xf32>,
      scf.yield %parallel_loop3A_184 : i32
    } {sc.loop_unroll_factor = 4 : i64, sc.parallel_access}
    %dma_wait3A = arith.constant 0 : i32
    %dma_wait3A_13 = arith.constant 0 : i32
    %dma_wait3A_14 = tpu.memref_slice %arg2[%add3A, %dma_wait3A, %dma_wait3A_13] : memref<32x8x64xi32, #tpu.memory_space<hbm>> -> memref<1x8x64xi32, #tpu.memory_space<hbm>>
    %dma_wait3A_15 = tpu.memref_squeeze %dma_wait3A_14 : memref<1x8x64xi32, #tpu.memory_space<hbm>> -> memref<8x64xi32, #tpu.memory_space<hbm>>
    %dma_wait3A_16 = arith.constant 0 : i32
    %dma_wait3A_17 = arith.constant 0 : i32
    %dma_wait3A_18 = tpu.memref_slice %arg2[%add3A, %dma_wait3A_16, %dma_wait3A_17] : memref<32x8x64xi32, #tpu.memory_space<hbm>> -> memref<1x8x64xi32, #tpu.memory_space<hbm>>
    %dma_wait3A_19 = tpu.memref_squeeze %dma_wait3A_18 : memref<1x8x64xi32, #tpu.memory_space<hbm>> -> memref<8x64xi32, #tpu.memory_space<hbm>>
    tpu.wait_dma2 semaphore(%arg16 : memref<!tpu.dma_semaphore, #tpu.memory_space<semaphore_mem>>) src(%dma_wait3A_19 : memref<8x64xi32, #tpu.memory_space<hbm>>) dst(%arg5 : memref<8x64xi32, #tpu.memory_space<vmem>>)
    %dma_start3A_20 = arith.constant 0 : i32
    %dma_start3A_21 = arith.constant 0 : i32
    %dma_start3A_22 = tpu.memref_slice %arg5[%dma_start3A_20, %dma_start3A_21] : memref<8x64xi32, #tpu.memory_space<vmem>> -> memref<1x64xi32, #tpu.memory_space<vmem>>
    %dma_start3A_23 = tpu.memref_squeeze %dma_start3A_22 : memref<1x64xi32, #tpu.memory_space<vmem>> -> memref<64xi32, #tpu.memory_space<vmem>>
    %dma_start3A_24 = arith.constant 0 : i32
    %dma_start3A_25 = arith.constant 0 : i32
    %dma_start3A_26 = tpu.memref_slice %arg3[%dma_start3A_24, %dma_start3A_25] : memref<100000x128xf32, #tpu.memory_space<hbm>> -> memref<100000x128xf32, #tpu.memory_space<hbm>>
    tpu.enqueue_indirect_dma source(%dma_start3A_26 : memref<100000x128xf32, #tpu.memory_space<hbm>>) target(%arg6 : memref<64x128xf32, #tpu.memory_space<vmem>>) offsets(%dma_start3A_23 : memref<64xi32, #tpu.memory_space<vmem>>) semaphore(%arg8 : memref<!tpu.dma_semaphore, #tpu.memory_space<semaphore_mem>>) {add = true}
    %dma_start3A_27 = arith.constant 1 : i32
    %dma_start3A_28 = arith.constant 0 : i32
    %dma_start3A_29 = tpu.memref_slice %arg5[%dma_start3A_27, %dma_start3A_28] : memref<8x64xi32, #tpu.memory_space<vmem>> -> memref<1x64xi32, #tpu.memory_space<vmem>>
    %dma_start3A_30 = tpu.memref_squeeze %dma_start3A_29 : memref<1x64xi32, #tpu.memory_space<vmem>> -> memref<64xi32, #tpu.memory_space<vmem>>
    %dma_start3A_31 = arith.constant 0 : i32
    %dma_start3A_32 = arith.constant 0 : i32
    %dma_start3A_33 = tpu.memref_slice %arg3[%dma_start3A_31, %dma_start3A_32] : memref<100000x128xf32, #tpu.memory_space<hbm>> -> memref<100000x128xf32, #tpu.memory_space<hbm>>
    tpu.enqueue_indirect_dma source(%dma_start3A_33 : memref<100000x128xf32, #tpu.memory_space<hbm>>) target(%arg6 : memref<64x128xf32, #tpu.memory_space<vmem>>) offsets(%dma_start3A_30 : memref<64xi32, #tpu.memory_space<vmem>>) semaphore(%arg9 : memref<!tpu.dma_semaphore, #tpu.memory_space<semaphore_mem>>) {add = true}
    %dma_start3A_34 = arith.constant 2 : i32
    %dma_start3A_35 = arith.constant 0 : i32
    %dma_start3A_36 = tpu.memref_slice %arg5[%dma_start3A_34, %dma_start3A_35] : memref<8x64xi32, #tpu.memory_space<vmem>> -> memref<1x64xi32, #tpu.memory_space<vmem>>
    %dma_start3A_37 = tpu.memref_squeeze %dma_start3A_36 : memref<1x64xi32, #tpu.memory_space<vmem>> -> memref<64xi32, #tpu.memory_space<vmem>>
    %dma_start3A_38 = arith.constant 0 : i32
    %dma_start3A_39 = arith.constant 0 : i32
    %dma_start3A_40 = tpu.memref_slice %arg3[%dma_start3A_38, %dma_start3A_39] : memref<100000x128xf32, #tpu.memory_space<hbm>> -> memref<100000x128xf32, #tpu.memory_space<hbm>>
    tpu.enqueue_indirect_dma source(%dma_start3A_40 : memref<100000x128xf32, #tpu.memory_space<hbm>>) target(%arg6 : memref<64x128xf32, #tpu.memory_space<vmem>>) offsets(%dma_start3A_37 : memref<64xi32, #tpu.memory_space<vmem>>) semaphore(%arg10 : memref<!tpu.dma_semaphore, #tpu.memory_space<semaphore_mem>>) {add = true}
    %dma_start3A_41 = arith.constant 3 : i32
    %dma_start3A_42 = arith.constant 0 : i32
    %dma_start3A_43 = tpu.memref_slice %arg5[%dma_start3A_41, %dma_start3A_42] : memref<8x64xi32, #tpu.memory_space<vmem>> -> memref<1x64xi32, #tpu.memory_space<vmem>>
    %dma_start3A_44 = tpu.memref_squeeze %dma_start3A_43 : memref<1x64xi32, #tpu.memory_space<vmem>> -> memref<64xi32, #tpu.memory_space<vmem>>
    %dma_start3A_45 = arith.constant 0 : i32
    %dma_start3A_46 = arith.constant 0 : i32
    %dma_start3A_47 = tpu.memref_slice %arg3[%dma_start3A_45, %dma_start3A_46] : memref<100000x128xf32, #tpu.memory_space<hbm>> -> memref<100000x128xf32, #tpu.memory_space<hbm>>
    tpu.enqueue_indirect_dma source(%dma_start3A_47 : memref<100000x128xf32, #tpu.memory_space<hbm>>) target(%arg6 : memref<64x128xf32, #tpu.memory_space<vmem>>) offsets(%dma_start3A_44 : memref<64xi32, #tpu.memory_space<vmem>>) semaphore(%arg11 : memref<!tpu.dma_semaphore, #tpu.memory_space<semaphore_mem>>) {add = true}
    %dma_start3A_48 = arith.constant 4 : i32
    %dma_start3A_49 = arith.constant 0 : i32
    %dma_start3A_50 = tpu.memref_slice %arg5[%dma_start3A_48, %dma_start3A_49] : memref<8x64xi32, #tpu.memory_space<vmem>> -> memref<1x64xi32, #tpu.memory_space<vmem>>
    %dma_start3A_51 = tpu.memref_squeeze %dma_start3A_50 : memref<1x64xi32, #tpu.memory_space<vmem>> -> memref<64xi32, #tpu.memory_space<vmem>>
    %dma_start3A_52 = arith.constant 0 : i32
    %dma_start3A_53 = arith.constant 0 : i32
    %dma_start3A_54 = tpu.memref_slice %arg3[%dma_start3A_52, %dma_start3A_53] : memref<100000x128xf32, #tpu.memory_space<hbm>> -> memref<100000x128xf32, #tpu.memory_space<hbm>>
    tpu.enqueue_indirect_dma source(%dma_start3A_54 : memref<100000x128xf32, #tpu.memory_space<hbm>>) target(%arg6 : memref<64x128xf32, #tpu.memory_space<vmem>>) offsets(%dma_start3A_51 : memref<64xi32, #tpu.memory_space<vmem>>) semaphore(%arg12 : memref<!tpu.dma_semaphore, #tpu.memory_space<semaphore_mem>>) {add = true}
    %dma_start3A_55 = arith.constant 5 : i32
    %dma_start3A_56 = arith.constant 0 : i32
    %dma_start3A_57 = tpu.memref_slice %arg5[%dma_start3A_55, %dma_start3A_56] : memref<8x64xi32, #tpu.memory_space<vmem>> -> memref<1x64xi32, #tpu.memory_space<vmem>>
    %dma_start3A_58 = tpu.memref_squeeze %dma_start3A_57 : memref<1x64xi32, #tpu.memory_space<vmem>> -> memref<64xi32, #tpu.memory_space<vmem>>
    %dma_start3A_59 = arith.constant 0 : i32
    %dma_start3A_60 = arith.constant 0 : i32
    %dma_start3A_61 = tpu.memref_slice %arg3[%dma_start3A_59, %dma_start3A_60] : memref<100000x128xf32, #tpu.memory_space<hbm>> -> memref<100000x128xf32, #tpu.memory_space<hbm>>
    tpu.enqueue_indirect_dma source(%dma_start3A_61 : memref<100000x128xf32, #tpu.memory_space<hbm>>) target(%arg6 : memref<64x128xf32, #tpu.memory_space<vmem>>) offsets(%dma_start3A_58 : memref<64xi32, #tpu.memory_space<vmem>>) semaphore(%arg13 : memref<!tpu.dma_semaphore, #tpu.memory_space<semaphore_mem>>) {add = true}
    %dma_start3A_62 = arith.constant 6 : i32
    %dma_start3A_63 = arith.constant 0 : i32
    %dma_start3A_64 = tpu.memref_slice %arg5[%dma_start3A_62, %dma_start3A_63] : memref<8x64xi32, #tpu.memory_space<vmem>> -> memref<1x64xi32, #tpu.memory_space<vmem>>
    %dma_start3A_65 = tpu.memref_squeeze %dma_start3A_64 : memref<1x64xi32, #tpu.memory_space<vmem>> -> memref<64xi32, #tpu.memory_space<vmem>>
    %dma_start3A_66 = arith.constant 0 : i32
    %dma_start3A_67 = arith.constant 0 : i32
    %dma_start3A_68 = tpu.memref_slice %arg3[%dma_start3A_66, %dma_start3A_67] : memref<100000x128xf32, #tpu.memory_space<hbm>> -> memref<100000x128xf32, #tpu.memory_space<hbm>>
    tpu.enqueue_indirect_dma source(%dma_start3A_68 : memref<100000x128xf32, #tpu.memory_space<hbm>>) target(%arg6 : memref<64x128xf32, #tpu.memory_space<vmem>>) offsets(%dma_start3A_65 : memref<64xi32, #tpu.memory_space<vmem>>) semaphore(%arg14 : memref<!tpu.dma_semaphore, #tpu.memory_space<semaphore_mem>>) {add = true}
    %dma_start3A_69 = arith.constant 7 : i32
    %dma_start3A_70 = arith.constant 0 : i32
    %dma_start3A_71 = tpu.memref_slice %arg5[%dma_start3A_69, %dma_start3A_70] : memref<8x64xi32, #tpu.memory_space<vmem>> -> memref<1x64xi32, #tpu.memory_space<vmem>>
    %dma_start3A_72 = tpu.memref_squeeze %dma_start3A_71 : memref<1x64xi32, #tpu.memory_space<vmem>> -> memref<64xi32, #tpu.memory_space<vmem>>
    %dma_start3A_73 = arith.constant 0 : i32
    %dma_start3A_74 = arith.constant 0 : i32
    %dma_start3A_75 = tpu.memref_slice %arg3[%dma_start3A_73, %dma_start3A_74] : memref<100000x128xf32, #tpu.memory_space<hbm>> -> memref<100000x128xf32, #tpu.memory_space<hbm>>
    tpu.enqueue_indirect_dma source(%dma_start3A_75 : memref<100000x128xf32, #tpu.memory_space<hbm>>) target(%arg6 : memref<64x128xf32, #tpu.memory_space<vmem>>) offsets(%dma_start3A_72 : memref<64xi32, #tpu.memory_space<vmem>>) semaphore(%arg15 : memref<!tpu.dma_semaphore, #tpu.memory_space<semaphore_mem>>) {add = true}
    %dma_wait3A_76 = arith.constant 0 : i32
    %dma_wait3A_77 = arith.constant 0 : i32
    %dma_wait3A_78 = tpu.memref_slice %arg5[%dma_wait3A_76, %dma_wait3A_77] : memref<8x64xi32, #tpu.memory_space<vmem>> -> memref<1x64xi32, #tpu.memory_space<vmem>>
    %dma_wait3A_79 = tpu.memref_squeeze %dma_wait3A_78 : memref<1x64xi32, #tpu.memory_space<vmem>> -> memref<64xi32, #tpu.memory_space<vmem>>
    %dma_wait3A_80 = arith.constant 0 : i32
    %dma_wait3A_81 = arith.constant 0 : i32
    %dma_wait3A_82 = tpu.memref_slice %arg3[%dma_wait3A_80, %dma_wait3A_81] : memref<100000x128xf32, #tpu.memory_space<hbm>> -> memref<100000x128xf32, #tpu.memory_space<hbm>>
    tpu.wait_indirect_dma semaphore(%arg8 : memref<!tpu.dma_semaphore, #tpu.memory_space<semaphore_mem>>) src(%dma_wait3A_82 : memref<100000x128xf32, #tpu.memory_space<hbm>>) dst(%arg6 : memref<64x128xf32, #tpu.memory_space<vmem>>)
    %dma_wait3A_83 = arith.constant 1 : i32
    %dma_wait3A_84 = arith.constant 0 : i32
    %dma_wait3A_85 = tpu.memref_slice %arg5[%dma_wait3A_83, %dma_wait3A_84] : memref<8x64xi32, #tpu.memory_space<vmem>> -> memref<1x64xi32, #tpu.memory_space<vmem>>
    %dma_wait3A_86 = tpu.memref_squeeze %dma_wait3A_85 : memref<1x64xi32, #tpu.memory_space<vmem>> -> memref<64xi32, #tpu.memory_space<vmem>>
    %dma_wait3A_87 = arith.constant 0 : i32
    %dma_wait3A_88 = arith.constant 0 : i32
    %dma_wait3A_89 = tpu.memref_slice %arg3[%dma_wait3A_87, %dma_wait3A_88] : memref<100000x128xf32, #tpu.memory_space<hbm>> -> memref<100000x128xf32, #tpu.memory_space<hbm>>
    tpu.wait_indirect_dma semaphore(%arg9 : memref<!tpu.dma_semaphore, #tpu.memory_space<semaphore_mem>>) src(%dma_wait3A_89 : memref<100000x128xf32, #tpu.memory_space<hbm>>) dst(%arg6 : memref<64x128xf32, #tpu.memory_space<vmem>>)
    %dma_wait3A_90 = arith.constant 2 : i32
    %dma_wait3A_91 = arith.constant 0 : i32
    %dma_wait3A_92 = tpu.memref_slice %arg5[%dma_wait3A_90, %dma_wait3A_91] : memref<8x64xi32, #tpu.memory_space<vmem>> -> memref<1x64xi32, #tpu.memory_space<vmem>>
    %dma_wait3A_93 = tpu.memref_squeeze %dma_wait3A_92 : memref<1x64xi32, #tpu.memory_space<vmem>> -> memref<64xi32, #tpu.memory_space<vmem>>
    %dma_wait3A_94 = arith.constant 0 : i32
    %dma_wait3A_95 = arith.constant 0 : i32
    %dma_wait3A_96 = tpu.memref_slice %arg3[%dma_wait3A_94, %dma_wait3A_95] : memref<100000x128xf32, #tpu.memory_space<hbm>> -> memref<100000x128xf32, #tpu.memory_space<hbm>>
    tpu.wait_indirect_dma semaphore(%arg10 : memref<!tpu.dma_semaphore, #tpu.memory_space<semaphore_mem>>) src(%dma_wait3A_96 : memref<100000x128xf32, #tpu.memory_space<hbm>>) dst(%arg6 : memref<64x128xf32, #tpu.memory_space<vmem>>)
    %dma_wait3A_97 = arith.constant 3 : i32
    %dma_wait3A_98 = arith.constant 0 : i32
    %dma_wait3A_99 = tpu.memref_slice %arg5[%dma_wait3A_97, %dma_wait3A_98] : memref<8x64xi32, #tpu.memory_space<vmem>> -> memref<1x64xi32, #tpu.memory_space<vmem>>
    %dma_wait3A_100 = tpu.memref_squeeze %dma_wait3A_99 : memref<1x64xi32, #tpu.memory_space<vmem>> -> memref<64xi32, #tpu.memory_space<vmem>>
    %dma_wait3A_101 = arith.constant 0 : i32
    %dma_wait3A_102 = arith.constant 0 : i32
    %dma_wait3A_103 = tpu.memref_slice %arg3[%dma_wait3A_101, %dma_wait3A_102] : memref<100000x128xf32, #tpu.memory_space<hbm>> -> memref<100000x128xf32, #tpu.memory_space<hbm>>
    tpu.wait_indirect_dma semaphore(%arg11 : memref<!tpu.dma_semaphore, #tpu.memory_space<semaphore_mem>>) src(%dma_wait3A_103 : memref<100000x128xf32, #tpu.memory_space<hbm>>) dst(%arg6 : memref<64x128xf32, #tpu.memory_space<vmem>>)
    %dma_wait3A_104 = arith.constant 4 : i32
    %dma_wait3A_105 = arith.constant 0 : i32
    %dma_wait3A_106 = tpu.memref_slice %arg5[%dma_wait3A_104, %dma_wait3A_105] : memref<8x64xi32, #tpu.memory_space<vmem>> -> memref<1x64xi32, #tpu.memory_space<vmem>>
    %dma_wait3A_107 = tpu.memref_squeeze %dma_wait3A_106 : memref<1x64xi32, #tpu.memory_space<vmem>> -> memref<64xi32, #tpu.memory_space<vmem>>
    %dma_wait3A_108 = arith.constant 0 : i32
    %dma_wait3A_109 = arith.constant 0 : i32
    %dma_wait3A_110 = tpu.memref_slice %arg3[%dma_wait3A_108, %dma_wait3A_109] : memref<100000x128xf32, #tpu.memory_space<hbm>> -> memref<100000x128xf32, #tpu.memory_space<hbm>>
    tpu.wait_indirect_dma semaphore(%arg12 : memref<!tpu.dma_semaphore, #tpu.memory_space<semaphore_mem>>) src(%dma_wait3A_110 : memref<100000x128xf32, #tpu.memory_space<hbm>>) dst(%arg6 : memref<64x128xf32, #tpu.memory_space<vmem>>)
    %dma_wait3A_111 = arith.constant 5 : i32
    %dma_wait3A_112 = arith.constant 0 : i32
    %dma_wait3A_113 = tpu.memref_slice %arg5[%dma_wait3A_111, %dma_wait3A_112] : memref<8x64xi32, #tpu.memory_space<vmem>> -> memref<1x64xi32, #tpu.memory_space<vmem>>
    %dma_wait3A_114 = tpu.memref_squeeze %dma_wait3A_113 : memref<1x64xi32, #tpu.memory_space<vmem>> -> memref<64xi32, #tpu.memory_space<vmem>>
    %dma_wait3A_115 = arith.constant 0 : i32
    %dma_wait3A_116 = arith.constant 0 : i32
    %dma_wait3A_117 = tpu.memref_slice %arg3[%dma_wait3A_115, %dma_wait3A_116] : memref<100000x128xf32, #tpu.memory_space<hbm>> -> memref<100000x128xf32, #tpu.memory_space<hbm>>
    tpu.wait_indirect_dma semaphore(%arg13 : memref<!tpu.dma_semaphore, #tpu.memory_space<semaphore_mem>>) src(%dma_wait3A_117 : memref<100000x128xf32, #tpu.memory_space<hbm>>) dst(%arg6 : memref<64x128xf32, #tpu.memory_space<vmem>>)
    %dma_wait3A_118 = arith.constant 6 : i32
    %dma_wait3A_119 = arith.constant 0 : i32
    %dma_wait3A_120 = tpu.memref_slice %arg5[%dma_wait3A_118, %dma_wait3A_119] : memref<8x64xi32, #tpu.memory_space<vmem>> -> memref<1x64xi32, #tpu.memory_space<vmem>>
    %dma_wait3A_121 = tpu.memref_squeeze %dma_wait3A_120 : memref<1x64xi32, #tpu.memory_space<vmem>> -> memref<64xi32, #tpu.memory_space<vmem>>
    %dma_wait3A_122 = arith.constant 0 : i32
    %dma_wait3A_123 = arith.constant 0 : i32
    %dma_wait3A_124 = tpu.memref_slice %arg3[%dma_wait3A_122, %dma_wait3A_123] : memref<100000x128xf32, #tpu.memory_space<hbm>> -> memref<100000x128xf32, #tpu.memory_space<hbm>>
    tpu.wait_indirect_dma semaphore(%arg14 : memref<!tpu.dma_semaphore, #tpu.memory_space<semaphore_mem>>) src(%dma_wait3A_124 : memref<100000x128xf32, #tpu.memory_space<hbm>>) dst(%arg6 : memref<64x128xf32, #tpu.memory_space<vmem>>)
    %dma_wait3A_125 = arith.constant 7 : i32
    %dma_wait3A_126 = arith.constant 0 : i32
    %dma_wait3A_127 = tpu.memref_slice %arg5[%dma_wait3A_125, %dma_wait3A_126] : memref<8x64xi32, #tpu.memory_space<vmem>> -> memref<1x64xi32, #tpu.memory_space<vmem>>
    %dma_wait3A_128 = tpu.memref_squeeze %dma_wait3A_127 : memref<1x64xi32, #tpu.memory_space<vmem>> -> memref<64xi32, #tpu.memory_space<vmem>>
    %dma_wait3A_129 = arith.constant 0 : i32
    %dma_wait3A_130 = arith.constant 0 : i32
    %dma_wait3A_131 = tpu.memref_slice %arg3[%dma_wait3A_129, %dma_wait3A_130] : memref<100000x128xf32, #tpu.memory_space<hbm>> -> memref<100000x128xf32, #tpu.memory_space<hbm>>
    tpu.wait_indirect_dma semaphore(%arg15 : memref<!tpu.dma_semaphore, #tpu.memory_space<semaphore_mem>>) src(%dma_wait3A_131 : memref<100000x128xf32, #tpu.memory_space<hbm>>) dst(%arg6 : memref<64x128xf32, #tpu.memory_space<vmem>>)
    %broadcast_in_dim3A_132 = arith.constant 0.000000e+00 : f32
    %broadcast_in_dim3A_133 = vector.broadcast %broadcast_in_dim3A_132 : f32 to vector<16xf32>
    %broadcast_in_dim3A_134 = arith.constant 0.000000e+00 : f32
    %broadcast_in_dim3A_135 = vector.broadcast %broadcast_in_dim3A_134 : f32 to vector<16xf32>
    %broadcast_in_dim3A_136 = arith.constant 0.000000e+00 : f32
    %broadcast_in_dim3A_137 = vector.broadcast %broadcast_in_dim3A_136 : f32 to vector<16xf32>
    %broadcast_in_dim3A_138 = arith.constant 0.000000e+00 : f32
    %broadcast_in_dim3A_139 = vector.broadcast %broadcast_in_dim3A_138 : f32 to vector<16xf32>
    %broadcast_in_dim3A_140 = arith.constant 0.000000e+00 : f32
    %broadcast_in_dim3A_141 = vector.broadcast %broadcast_in_dim3A_140 : f32 to vector<16xf32>
    %broadcast_in_dim3A_142 = arith.constant 0.000000e+00 : f32
    %broadcast_in_dim3A_143 = vector.broadcast %broadcast_in_dim3A_142 : f32 to vector<16xf32>
    %broadcast_in_dim3A_144 = arith.constant 0.000000e+00 : f32
    %broadcast_in_dim3A_145 = vector.broadcast %broadcast_in_dim3A_144 : f32 to vector<16xf32>
    %broadcast_in_dim3A_146 = arith.constant 0.000000e+00 : f32
    %broadcast_in_dim3A_147 = vector.broadcast %broadcast_in_dim3A_146 : f32 to vector<16xf32>
    %parallel_loop3A_148 = arith.constant 0 : i32
    %parallel_loop3A_149 = arith.constant 64 : i32
    %parallel_loop3A_150 = arith.constant 1 : i32
    %parallel_loop3A_151:8 = scf.for %parallel_loop3A_183 = %parallel_loop3A_148 to %parallel_loop3A_149 step %parallel_loop3A_150 iter_args(%parallel_loop3A_184 = %broadcast_in_dim3A_133, %parallel_loop3A_185 = %broadcast_in_dim3A_135, %parallel_loop3A_186 = %broadcast_in_dim3A_137, %parallel_loop3A_187 = %broadcast_in_dim3A_139, %parallel_loop3A_188 = %broadcast_in_dim3A_141, %parallel_loop3A_189 = %broadcast_in_dim3A_143, %parallel_loop3A_190 = %broadcast_in_dim3A_145, %parallel_loop3A_191 = %broadcast_in_dim3A_147) -> (vector<16xf32>, vector<16xf32>, vector<16xf32>, vector<16xf32>, vector<16xf32>, vector<16xf32>, vector<16xf32>, vector<16xf32>)  : i32 {
      %parallel_loop3A_192 = arith.index_cast %parallel_loop3A_183 : i32 to index
      %parallel_loop3A_193 = arith.constant 0 : index
      %parallel_loop3A_194 = tpu.vector_load %arg6[%parallel_loop3A_192, %parallel_loop3A_193] {strides = array<i32>} : memref<64x128xf32, #tpu.memory_space<vmem>>, vector<1x16xf32>,
      %parallel_loop3A_195 = vector.shape_cast %parallel_loop3A_194 : vector<1x16xf32> to vector<16xf32>
      %parallel_loop3A_196 = arith.addf %parallel_loop3A_184, %parallel_loop3A_195 : vector<16xf32>
      %parallel_loop3A_197 = arith.index_cast %parallel_loop3A_183 : i32 to index
      %parallel_loop3A_198 = arith.constant 16 : index
      %parallel_loop3A_199 = tpu.vector_load %arg6[%parallel_loop3A_197, %parallel_loop3A_198] {strides = array<i32>} : memref<64x128xf32, #tpu.memory_space<vmem>>, vector<1x16xf32>,
      %parallel_loop3A_200 = vector.shape_cast %parallel_loop3A_199 : vector<1x16xf32> to vector<16xf32>
      %parallel_loop3A_201 = arith.addf %parallel_loop3A_185, %parallel_loop3A_200 : vector<16xf32>
      %parallel_loop3A_202 = arith.index_cast %parallel_loop3A_183 : i32 to index
      %parallel_loop3A_203 = arith.constant 32 : index
      %parallel_loop3A_204 = tpu.vector_load %arg6[%parallel_loop3A_202, %parallel_loop3A_203] {strides = array<i32>} : memref<64x128xf32, #tpu.memory_space<vmem>>, vector<1x16xf32>,
      %parallel_loop3A_205 = vector.shape_cast %parallel_loop3A_204 : vector<1x16xf32> to vector<16xf32>
      %parallel_loop3A_206 = arith.addf %parallel_loop3A_186, %parallel_loop3A_205 : vector<16xf32>
      %parallel_loop3A_207 = arith.index_cast %parallel_loop3A_183 : i32 to index
      %parallel_loop3A_208 = arith.constant 48 : index
      %parallel_loop3A_209 = tpu.vector_load %arg6[%parallel_loop3A_207, %parallel_loop3A_208] {strides = array<i32>} : memref<64x128xf32, #tpu.memory_space<vmem>>, vector<1x16xf32>,
      %parallel_loop3A_210 = vector.shape_cast %parallel_loop3A_209 : vector<1x16xf32> to vector<16xf32>
      %parallel_loop3A_211 = arith.addf %parallel_loop3A_187, %parallel_loop3A_210 : vector<16xf32>
      %parallel_loop3A_212 = arith.index_cast %parallel_loop3A_183 : i32 to index
      %parallel_loop3A_213 = arith.constant 64 : index
      %parallel_loop3A_214 = tpu.vector_load %arg6[%parallel_loop3A_212, %parallel_loop3A_213] {strides = array<i32>} : memref<64x128xf32, #tpu.memory_space<vmem>>, vector<1x16xf32>,
      %parallel_loop3A_215 = vector.shape_cast %parallel_loop3A_214 : vector<1x16xf32> to vector<16xf32>
      %parallel_loop3A_216 = arith.addf %parallel_loop3A_188, %parallel_loop3A_215 : vector<16xf32>
      %parallel_loop3A_217 = arith.index_cast %parallel_loop3A_183 : i32 to index
      %parallel_loop3A_218 = arith.constant 80 : index
      %parallel_loop3A_219 = tpu.vector_load %arg6[%parallel_loop3A_217, %parallel_loop3A_218] {strides = array<i32>} : memref<64x128xf32, #tpu.memory_space<vmem>>, vector<1x16xf32>,
      %parallel_loop3A_220 = vector.shape_cast %parallel_loop3A_219 : vector<1x16xf32> to vector<16xf32>
      %parallel_loop3A_221 = arith.addf %parallel_loop3A_189, %parallel_loop3A_220 : vector<16xf32>
      %parallel_loop3A_222 = arith.index_cast %parallel_loop3A_183 : i32 to index
      %parallel_loop3A_223 = arith.constant 96 : index
      %parallel_loop3A_224 = tpu.vector_load %arg6[%parallel_loop3A_222, %parallel_loop3A_223] {strides = array<i32>} : memref<64x128xf32, #tpu.memory_space<vmem>>, vector<1x16xf32>,
      %parallel_loop3A_225 = vector.shape_cast %parallel_loop3A_224 : vector<1x16xf32> to vector<16xf32>
      %parallel_loop3A_226 = arith.addf %parallel_loop3A_190, %parallel_loop3A_225 : vector<16xf32>
      %parallel_loop3A_227 = arith.index_cast %parallel_loop3A_183 : i32 to index
      %parallel_loop3A_228 = arith.constant 112 : index
      %parallel_loop3A_229 = tpu.vector_load %arg6[%parallel_loop3A_227, %parallel_loop3A_228] {strides = array<i32>} : memref<64x128xf32, #tpu.memory_space<vmem>>, vector<1x16xf32>,
      %parallel_loop3A_230 = vector.shape_cast %parallel_loop3A_229 : vector<1x16xf32> to vector<16xf32>
      %parallel_loop3A_231 = arith.addf %parallel_loop3A_191, %parallel_loop3A_230 : vector<16xf32>
      scf.yield %parallel_loop3A_196, %parallel_loop3A_201, %parallel_loop3A_206, %parallel_loop3A_211, %parallel_loop3A_216, %parallel_loop3A_221, %parallel_loop3A_226, %parallel_loop3A_231 : vector<16xf32>, vector<16xf32>, vector<16xf32>, vector<16xf32>, vector<16xf32>, vector<16xf32>, vector<16xf32>, vector<16xf32>
    } {sc.loop_unroll_factor = 4 : i64, sc.parallel_access}
    %swap3A = arith.constant 0 : index
    %swap3A_152 = tpu.vector_load %arg7[%swap3A] {strides = array<i32>} : memref<128xf32, #tpu.memory_space<vmem>>, vector<16xf32>,
    %swap3A_153 = vector.shape_cast %swap3A_152 : vector<16xf32> to vector<16xf32>
    %swap3A_154 = vector.shape_cast %parallel_loop3A_151#0 : vector<16xf32> to vector<16xf32>
    tpu.vector_store %arg7[%swap3A], %swap3A_154 {strides = array<i32>} : memref<128xf32, #tpu.memory_space<vmem>>, vector<16xf32>,
    %swap3A_155 = arith.constant 16 : index
    %swap3A_156 = tpu.vector_load %arg7[%swap3A_155] {strides = array<i32>} : memref<128xf32, #tpu.memory_space<vmem>>, vector<16xf32>,
    %swap3A_157 = vector.shape_cast %swap3A_156 : vector<16xf32> to vector<16xf32>
    %swap3A_158 = vector.shape_cast %parallel_loop3A_151#1 : vector<16xf32> to vector<16xf32>
    tpu.vector_store %arg7[%swap3A_155], %swap3A_158 {strides = array<i32>} : memref<128xf32, #tpu.memory_space<vmem>>, vector<16xf32>,
    %swap3A_159 = arith.constant 32 : index
    %swap3A_160 = tpu.vector_load %arg7[%swap3A_159] {strides = array<i32>} : memref<128xf32, #tpu.memory_space<vmem>>, vector<16xf32>,
    %swap3A_161 = vector.shape_cast %swap3A_160 : vector<16xf32> to vector<16xf32>
    %swap3A_162 = vector.shape_cast %parallel_loop3A_151#2 : vector<16xf32> to vector<16xf32>
    tpu.vector_store %arg7[%swap3A_159], %swap3A_162 {strides = array<i32>} : memref<128xf32, #tpu.memory_space<vmem>>, vector<16xf32>,
    %swap3A_163 = arith.constant 48 : index
    %swap3A_164 = tpu.vector_load %arg7[%swap3A_163] {strides = array<i32>} : memref<128xf32, #tpu.memory_space<vmem>>, vector<16xf32>,
    %swap3A_165 = vector.shape_cast %swap3A_164 : vector<16xf32> to vector<16xf32>
    %swap3A_166 = vector.shape_cast %parallel_loop3A_151#3 : vector<16xf32> to vector<16xf32>
    tpu.vector_store %arg7[%swap3A_163], %swap3A_166 {strides = array<i32>} : memref<128xf32, #tpu.memory_space<vmem>>, vector<16xf32>,
    %swap3A_167 = arith.constant 64 : index
    %swap3A_168 = tpu.vector_load %arg7[%swap3A_167] {strides = array<i32>} : memref<128xf32, #tpu.memory_space<vmem>>, vector<16xf32>,
    %swap3A_169 = vector.shape_cast %swap3A_168 : vector<16xf32> to vector<16xf32>
    %swap3A_170 = vector.shape_cast %parallel_loop3A_151#4 : vector<16xf32> to vector<16xf32>
    tpu.vector_store %arg7[%swap3A_167], %swap3A_170 {strides = array<i32>} : memref<128xf32, #tpu.memory_space<vmem>>, vector<16xf32>,
    %swap3A_171 = arith.constant 80 : index
    %swap3A_172 = tpu.vector_load %arg7[%swap3A_171] {strides = array<i32>} : memref<128xf32, #tpu.memory_space<vmem>>, vector<16xf32>,
    %swap3A_173 = vector.shape_cast %swap3A_172 : vector<16xf32> to vector<16xf32>
    %swap3A_174 = vector.shape_cast %parallel_loop3A_151#5 : vector<16xf32> to vector<16xf32>
    tpu.vector_store %arg7[%swap3A_171], %swap3A_174 {strides = array<i32>} : memref<128xf32, #tpu.memory_space<vmem>>, vector<16xf32>,
    %swap3A_175 = arith.constant 96 : index
    %swap3A_176 = tpu.vector_load %arg7[%swap3A_175] {strides = array<i32>} : memref<128xf32, #tpu.memory_space<vmem>>, vector<16xf32>,
    %swap3A_177 = vector.shape_cast %swap3A_176 : vector<16xf32> to vector<16xf32>
    %swap3A_178 = vector.shape_cast %parallel_loop3A_151#6 : vector<16xf32> to vector<16xf32>
    tpu.vector_store %arg7[%swap3A_175], %swap3A_178 {strides = array<i32>} : memref<128xf32, #tpu.memory_space<vmem>>, vector<16xf32>,
    %swap3A_179 = arith.constant 112 : index
    %swap3A_180 = tpu.vector_load %arg7[%swap3A_179] {strides = array<i32>} : memref<128xf32, #tpu.memory_space<vmem>>, vector<16xf32>,
    %swap3A_181 = vector.shape_cast %swap3A_180 : vector<16xf32> to vector<16xf32>
    %swap3A_182 = vector.shape_cast %parallel_loop3A_151#7 : vector<16xf32> to vector<16xf32>
    tpu.vector_store %arg7[%swap3A_179], %swap3A_182 {strides = array<i32>} : memref<128xf32, #tpu.memory_space<vmem>>, vector<16xf32>,
    "tpu.region"() ({
      %run_scoped3A = tpu.sem_alloc : memref<!tpu.dma_semaphore, #tpu.memory_space<semaphore_mem>>
      %dma_start3A_183 = arith.constant 0 : i32
      %dma_start3A_184 = tpu.memref_slice %arg4[%add3A, %dma_start3A_183] : memref<32x128xf32, #tpu.memory_space<hbm>> -> memref<1x128xf32, #tpu.memory_space<hbm>>
      %dma_start3A_185 = tpu.memref_squeeze %dma_start3A_184 : memref<1x128xf32, #tpu.memory_space<hbm>> -> memref<128xf32, #tpu.memory_space<hbm>>
      %dma_start3A_186 = arith.constant 0 : i32
      %dma_start3A_187 = tpu.memref_slice %arg4[%add3A, %dma_start3A_186] : memref<32x128xf32, #tpu.memory_space<hbm>> -> memref<1x128xf32, #tpu.memory_space<hbm>>
      %dma_start3A_188 = tpu.memref_squeeze %dma_start3A_187 : memref<1x128xf32, #tpu.memory_space<hbm>> -> memref<128xf32, #tpu.memory_space<hbm>>
      tpu.enqueue_dma source(%arg7 : memref<128xf32, #tpu.memory_space<vmem>>) target(%dma_start3A_188 : memref<128xf32, #tpu.memory_space<hbm>>) target_semaphore(%run_scoped3A : memref<!tpu.dma_semaphore, #tpu.memory_space<semaphore_mem>>)
      %dma_wait3A_189 = arith.constant 0 : i32
      %dma_wait3A_190 = tpu.memref_slice %arg4[%add3A, %dma_wait3A_189] : memref<32x128xf32, #tpu.memory_space<hbm>> -> memref<1x128xf32, #tpu.memory_space<hbm>>
      %dma_wait3A_191 = tpu.memref_squeeze %dma_wait3A_190 : memref<1x128xf32, #tpu.memory_space<hbm>> -> memref<128xf32, #tpu.memory_space<hbm>>
      %dma_wait3A_192 = arith.constant 0 : i32
      %dma_wait3A_193 = tpu.memref_slice %arg4[%add3A, %dma_wait3A_192] : memref<32x128xf32, #tpu.memory_space<hbm>> -> memref<1x128xf32, #tpu.memory_space<hbm>>
      %dma_wait3A_194 = tpu.memref_squeeze %dma_wait3A_193 : memref<1x128xf32, #tpu.memory_space<hbm>> -> memref<128xf32, #tpu.memory_space<hbm>>
      tpu.wait_dma2 semaphore(%run_scoped3A : memref<!tpu.dma_semaphore, #tpu.memory_space<semaphore_mem>>) src(%arg7 : memref<128xf32, #tpu.memory_space<vmem>>) dst(%dma_wait3A_194 : memref<128xf32, #tpu.memory_space<hbm>>)
      tpu.yield
    }) : () -> ()
    return
  }
}

module attributes {stable_mosaic.version = 14 : i64} {
  func.func @_tail_body(%arg0: memref<32x128xf32, #tpu.memory_space<vmem>>, %arg1: memref<2x128xf32, #tpu.memory_space<vmem>>, %arg2: memref<1x2xf32, #tpu.memory_space<vmem>>, %arg3: memref<1x2xf32, #tpu.memory_space<vmem>>) attributes {dimension_semantics = [], scalar_prefetch = 0 : i64, scratch_operands = 0 : i64, tpu.core_type = #tpu.core_type<tc>} {
    %get3A = arith.constant 0 : index
    %get3A_0 = arith.constant 0 : index
    %get3A_1 = vector.load %arg0[%get3A, %get3A_0] : memref<32x128xf32, #tpu.memory_space<vmem>>, vector<32x128xf32>
    %reduce_sum3A = arith.constant dense<0.000000e+00> : vector<128xf32>
    %reduce_sum3A_2 = vector.multi_reduction <add>, %get3A_1, %reduce_sum3A [0] : vector<32x128xf32> to vector<128xf32>
    %broadcast_in_dim3A = vector.shape_cast %reduce_sum3A_2 : vector<128xf32> to vector<1x128xf32>
    %mul3A = arith.constant 6.10351563E-5 : f32
    %mul3A_3 = vector.broadcast %mul3A : f32 to vector<1x128xf32>
    %mul3A_4 = arith.mulf %broadcast_in_dim3A, %mul3A_3 : vector<1x128xf32>
    %max3A = arith.constant 0.000000e+00 : f32
    %max3A_5 = vector.broadcast %max3A : f32 to vector<1x128xf32>
    %max3A_6 = arith.maximumf %mul3A_4, %max3A_5 : vector<1x128xf32>
    %get3A_7 = arith.constant 0 : index
    %get3A_8 = arith.constant 0 : index
    %get3A_9 = vector.load %arg1[%get3A_7, %get3A_8] : memref<2x128xf32, #tpu.memory_space<vmem>>, vector<2x128xf32>
    %dot_general3A = arith.constant dense<0.000000e+00> : vector<1x2xf32>
    %dot_general3A_10 = tpu.matmul %max3A_6, %get3A_9, %dot_general3A {dimension_numbers = #tpu.dot_dimension_numbers<[1], [1], [0], [0], [0, 0, 1, 0], [], []>, transpose_lhs_hint = false} : vector<1x128xf32>, vector<2x128xf32>, vector<1x2xf32> -> vector<1x2xf32>
    %get3A_11 = arith.constant 0 : index
    %get3A_12 = arith.constant 0 : index
    %get3A_13 = vector.load %arg2[%get3A_11, %get3A_12] : memref<1x2xf32, #tpu.memory_space<vmem>>, vector<1x2xf32>
    %add3A = arith.addf %dot_general3A_10, %get3A_13 : vector<1x2xf32>
    %reduce_max3A = arith.constant dense<0xFF800000> : vector<1xf32>
    %reduce_max3A_14 = vector.multi_reduction <maximumf>, %add3A, %reduce_max3A [1] : vector<1x2xf32> to vector<1xf32>
    %broadcast_in_dim3A_15 = vector.shape_cast %reduce_max3A_14 : vector<1xf32> to vector<1x1xf32>
    %sub3A = vector.broadcast %broadcast_in_dim3A_15 : vector<1x1xf32> to vector<1x2xf32>
    %sub3A_16 = arith.subf %add3A, %sub3A : vector<1x2xf32>
    %exp3A = math.exp %sub3A_16 : vector<1x2xf32>
    %reduce_sum3A_17 = arith.constant dense<0.000000e+00> : vector<1xf32>
    %reduce_sum3A_18 = vector.multi_reduction <add>, %exp3A, %reduce_sum3A_17 [1] : vector<1x2xf32> to vector<1xf32>
    %broadcast_in_dim3A_19 = vector.shape_cast %reduce_sum3A_18 : vector<1xf32> to vector<1x1xf32>
    %log3A = math.log %broadcast_in_dim3A_19 : vector<1x1xf32>
    %add3A_20 = arith.addf %broadcast_in_dim3A_15, %log3A : vector<1x1xf32>
    %sub3A_21 = vector.broadcast %add3A_20 : vector<1x1xf32> to vector<1x2xf32>
    %sub3A_22 = arith.subf %add3A, %sub3A_21 : vector<1x2xf32>
    %swap3A = arith.constant 0 : index
    %swap3A_23 = arith.constant 0 : index
    %swap3A_24 = vector.load %arg3[%swap3A, %swap3A_23] : memref<1x2xf32, #tpu.memory_space<vmem>>, vector<1x2xf32>
    tpu.vector_store %arg3[%swap3A, %swap3A_23], %sub3A_22 {strides = array<i32>} : memref<1x2xf32, #tpu.memory_space<vmem>>, vector<1x2xf32>,
    return
  }
}

</mosaic_0001>

<sc_bundles>
// kernel: kernel.4.cloned.1.call-start
scs
__scs_entry_jumppad:
0x0: {  	(pc) =	sbr.rel $0x88, $3  }
0x1: {  	(tag) =	ssettag $0x0;
	lr =	simm.s32 $0x1  }
0x2: {  	[smem:$0x3F9D] =	sst lr;
	_ =	strace $0xD0000000  }
0x3: {  	_ = 	snop  }
0x4: {  	_ = 	snop  }
0x5: {  	_ = 	snop  }
0x6: {  	_ = 	snop  }
0x7: {  	_ = 	snop  }
__scs_overlays_trampoline_lowered:
0x8: {  	[smem:$0x3FAC] =	sst s0  }
0x9: {  	[smem:$0x3FAD] =	sst s1  }
0xa: {  	[smem:$0x3FAE] =	sst s2  }
0xb: {  	[smem:$0x3FAF] =	sst s3  }
0xc: {  	[smem:$0x3FB0] =	sst s4  }
0xd: {  	[smem:$0x3FB1] =	sst s5  }
0xe: {  	[smem:$0x3FB2] =	sst s6  }
0xf: {  	[smem:$0x3FB3] =	sst s7  }
0x10: {  	[smem:$0x3FB4] =	sst s8  }
0x11: {  	[smem:$0x3FB5] =	sst s9;
	s0 =	simm.s32 @!p0 $0x0  }
0x12: {  	s1 =	sld [smem:$0x3F9B];
	s0 =	simm.s32 @p0 $0x1  }
0x13: {  	[smem:$0x3FB6] =	sst s0;
	s0 =	simm.s32 @!p1 $0x0  }
0x14: {  	s2 =	sld [smem:$0x3F9A];
	s0 =	simm.s32 @p1 $0x1  }
0x15: {  	[smem:$0x3FB7] =	sst s0;
	s0 =	simm.s32 @!p2 $0x0  }
0x16: {  	s3 =	sld [smem:$0x3FDB];
	s0 =	simm.s32 @p2 $0x1  }
0x17: {  	s4 =	simm.s32 $0x1BF5;
	[smem:$0x3FB9] =	sst s0  }
0x18: {  	s0 =	sld [smem:$0x3F9C];
	_ =	swait.ge [sflag:s4], $0x0  }
0x19: {  	s7 =	sld [smem:$0x3F9D]  }
0x1a: {  	s8 =	sadd.s32 $0xFFFFE003, lr  }
0x1b: {  	s9 =	sadd.s32 $0xFFFFFEF7, lr;
	s5 =	simm.s32 $0xFFFFFFFF;
	p2 =	slt.u32 s8, $0xFFFFF086  }
0x1c: {  	p1 =	slt.u32 s9, $0xF7A;
	s5 =	simm.s32 @!p2 $0x0  }
0x1d: {  	s5 =	simm.s32 @p1 $0x1;
	p0 =	seq.s32 s7, s2  }
0x1e: {  	s7 =	smul.u32 @!p0 $0xF7A, s2;
	p2 =	seq.s32 @!p0 s5, $0x0  }
0x1f: {  	s9 =	smul.u32 $0xF7A, s1;
	s8 =	simm.s32 @!p0 $0x1BF5;
	p2 =	por !p2, p0  }
0x20: {  	[sflag:s8] =	ssyncset.s32 @!p0 $0xFFFFF086;
	s6 =	sadd.s32 @!p0 s3, s7;
	s7 =	simm.s32 @!p0 $0x108  }
0x21: {  	s3 =	sadd.s32 s3, s9;
	s6 =	sadd.s32 @!p0 $0x88, s6;
	s7 =	simm.s32 @p2 $0x1082  }
0x22: {  	[simem:s7], [sflag:s8] =	dma.local @!p0 [hbm:s6], $0xF7A  }
0x23: {  	s9 =	sor.u32 $0xD0000000, s2;
	s6 =	simm.s32 $0x108;
	_ =	swait.ge @!p0 [sflag:s8], $0x0  }
0x24: {  	s3 =	sadd.s32 $0x88, s3;
	s6 =	simm.s32 @!p1 $0x1082;
	[sflag:s4] =	ssyncset.s32 $0xFFFFF086  }
0x25: {  	[simem:s6], [sflag:s4] =	dma.local [hbm:s3], $0xF7A  }
0x26: {  	[smem:$0x3F9D] =	sst s1;
	(tag) =	ssettag s2;
	_ =	strace s9  }
0x27: {  	s1 =	sld [smem:$0x3FAD]  }
0x28: {  	s2 =	sld [smem:$0x3FAE]  }
0x29: {  	s4 =	sld [smem:$0x3FB0]  }
0x2a: {  	p0 =	seq.s32 s5, $0x0;
	s5 =	sld [smem:$0x3FB1]  }
0x2b: {  	s6 =	sld [smem:$0x3FB2]  }
0x2c: {  	s7 =	sld [smem:$0x3FB3]  }
0x2d: {  	s3 =	simm.s32 $0x108;
	s8 =	sld [smem:$0x3FB4]  }
0x2e: {  	s3 =	simm.s32 @!p0 $0x1082;
	s9 =	sld [smem:$0x3FB5]  }
0x2f: {  	lr =	sadd.s32 s0, s3;
	s0 =	sld [smem:$0x3FAC]  }
0x30: {  	s3 =	sld [smem:$0x3FAF]  }
0x31: {  	[smem:$0x3FB8] =	sst s10  }
0x32: {  	s10 =	sld [smem:$0x3FB6];
	_ =	sdelay $0x3  }
0x33: {  	p0 =	seq.s32 s10, $0x1;
	s10 =	sld [smem:$0x3FB8];
	_ =	sdelay $0x3  }
0x34: {  	[smem:$0x3FB8] =	sst s10  }
0x35: {  	s10 =	sld [smem:$0x3FB7];
	_ =	sdelay $0x3  }
0x36: {  	p1 =	seq.s32 s10, $0x1;
	s10 =	sld [smem:$0x3FB8];
	_ =	sdelay $0x3  }
0x37: {  	[smem:$0x3FB8] =	sst s10  }
0x38: {  	s10 =	sld [smem:$0x3FB9]  }
0x39: {  	_ = 	snop;
	(pc) =	sbr.ind lr, $3  }
0x3a: {  	_ = 	snop  }
0x3b: {  	_ = 	snop  }
0x3c: {  	p2 =	seq.s32 s10, $0x1;
	s10 =	sld [smem:$0x3FB8]  }
0x3d: {  	_ =	shalt  }
0x3e: {  	_ =	shalt  }
0x3f: {  	_ =	shalt  }
0x40: {  	_ =	shalt  }
0x41: {  	_ =	shalt  }
0x42: {  	_ =	shalt  }
0x43: {  	_ =	shalt  }
0x44: {  	_ =	shalt  }
0x45: {  	_ =	shalt  }
0x46: {  	_ =	shalt  }
0x47: {  	_ =	shalt  }
0x48: {  	_ =	shalt  }
0x49: {  	_ =	shalt  }
0x4a: {  	_ =	shalt  }
0x4b: {  	_ =	shalt  }
0x4c: {  	_ =	shalt  }
0x4d: {  	_ =	shalt  }
0x4e: {  	_ =	shalt  }
0x4f: {  	_ =	shalt  }
0x50: {  	_ =	shalt  }
0x51: {  	_ =	shalt  }
0x52: {  	_ =	shalt  }
0x53: {  	_ =	shalt  }
0x54: {  	_ =	shalt  }
0x55: {  	_ =	shalt  }
0x56: {  	_ =	shalt  }
0x57: {  	_ =	shalt  }
0x58: {  	_ =	shalt  }
0x59: {  	_ =	shalt  }
0x5a: {  	_ =	shalt  }
0x5b: {  	_ =	shalt  }
0x5c: {  	_ =	shalt  }
0x5d: {  	_ =	shalt  }
0x5e: {  	_ =	shalt  }
0x5f: {  	_ =	shalt  }
0x60: {  	_ =	shalt  }
0x61: {  	_ =	shalt  }
0x62: {  	_ =	shalt  }
0x63: {  	_ =	shalt  }
0x64: {  	_ =	shalt  }
0x65: {  	_ =	shalt  }
0x66: {  	_ =	shalt  }
0x67: {  	_ =	shalt  }
0x68: {  	_ =	shalt  }
0x69: {  	_ =	shalt  }
0x6a: {  	_ =	shalt  }
0x6b: {  	_ =	shalt  }
0x6c: {  	_ =	shalt  }
0x6d: {  	_ =	shalt  }
0x6e: {  	_ =	shalt  }
0x6f: {  	_ =	shalt  }
0x70: {  	_ =	shalt  }
0x71: {  	_ =	shalt  }
0x72: {  	_ =	shalt  }
0x73: {  	_ =	shalt  }
0x74: {  	_ =	shalt  }
0x75: {  	_ =	shalt  }
0x76: {  	_ =	shalt  }
0x77: {  	_ =	shalt  }
0x78: {  	_ =	shalt  }
0x79: {  	_ =	shalt  }
0x7a: {  	_ =	shalt  }
0x7b: {  	_ =	shalt  }
0x7c: {  	_ =	shalt  }
0x7d: {  	_ =	shalt  }
0x7e: {  	_ =	shalt  }
0x7f: {  	_ =	shalt  }
0x80: {  	_ =	shalt  }
0x81: {  	_ =	shalt  }
0x82: {  	_ =	shalt  }
0x83: {  	_ =	shalt  }
0x84: {  	_ =	shalt  }
0x85: {  	_ =	shalt  }
0x86: {  	_ =	shalt  }
0x87: {  	_ =	shalt  }
.Lfunc_end0:
.L_simem_size_0:
called_computation_lowered:
.L_overlay_start_0:
0x88: {  	s2 =	sld [smem:$0x3FD9]  }
0x89: {  	s3 =	sld [smem:$0x3FFE];
	_ =	sdelay $0x1  }
0x8a: {  	s1 =	srdreg.scid  }
0x8b: {  	s0 =	sand.u32 $0x1, s1  }
0x8c: {  	s17 =	sshll.u32 s0, $0xA;
	s2 =	sadd.s32 s3, s2  }
0x8d: {  	s2 =	sadd.s32 s2, s17  }
0x8e: {  	[smem:$0x3FC4] =	sst s2  }
0x8f: {  	_ = 	snop  }
0x90: {  	s2 =	sld [smem:$0x3FC8];
	(tm) =	ssettm $0x1  }
0x91: {  	s18 =	sld [smem:$0x3FFB];
	_ =	sdelay $0x3  }
0x92: {  	_ =	strace s18  }
0x93: {  	s3 =	sld [smem:$0x3FFC];
	_ =	sdelay $0x3  }
0x94: {  	_ =	strace s3  }
0x95: {  	s3 =	sld [smem:$0x3FFD];
	_ =	sdelay $0x3  }
0x96: {  	_ =	strace s3  }
0x97: {  	_ =	strace $0x8FFFFFFF  }
0x98: {  	s19 =	sld [smem:$0x3FDB];
	_ =	sdelay $0x1  }
0x99: {  	s4 =	simm.s32 $_scs_section_size  }
0x9a: {  	s5 =	simm.s32 $_size__tile_overlayer_lowered;
	s6 =	simm.s32 $_tile_overlayer_lowered  }
0x9b: {  	s22 =	simm.s32 $0x1BFF;
	s21 =	sshll.u32 s6, $0x1;
	s3 =	sadd.s32 s4, s19  }
0x9c: {  	s7 =	simm.s32 $0x0;
	s20 =	sshll.u32 s5, $0x1;
	s5 =	sadd.s32 s21, s3  }
0x9d: {  	[timem:s7], [sflag:s22] =	dma.local [hbm:s5], s20  }
0x9e: {  	_ =	swait.ge [sflag:s22], s20  }
0x9f: {  	s4 =	ssub.s32 $0x0, s20;
	[sflag:s22] =	ssyncset.done $0x0  }
0xa0: {  	[sflag:s22] =	ssyncadd.s32 s4;
	_ =	sdelay $0x1  }
0xa1: {  	s23 =	simm.s32 $0x1B8B  }
0xa2: {  	_ =	swait.ge [sflag:s23], $0x1  }
0xa3: {  	[sflag:s23] =	ssyncset.done $0x0  }
0xa4: {  	s25 =	simm.s32 $0x1B8E;
	s24 =	sld [smem:$0x3FFE];
	[sflag:s23] =	ssyncadd.s32 $0xFFFFFFFF  }
0xa5: {  	s26 =	simm.s32 $execute0_lowered;
	[smem:$0x3FD2] =	sst s25  }
0xa6: {  	s5 =	sshll.u32 s26, $0x1;
	_ =	strace $0x80000046;
	[dreg:$0x1] =	wrdreg $0xFFFFFFFF  }
0xa7: {  	s28 =	simm.s32 $_size_execute0_lowered;
	s3 =	sadd.s32 s3, s5;
	[dreg:$0x0] =	wrdreg $0x0  }
0xa8: {  	s5 =	sshll.u32 s28, $0x1;
	[dreg:$0x2] =	wrdreg s3  }
0xa9: {  	[dreg:$0x3] =	wrdreg s5  }
0xaa: {  	[dreg:$0x4] =	wrdreg $0xC0  }
0xab: {  	_ =	task [dreg:s7], $0x5FFFF  }
0xac: {  	[dreg:$0x1] =	wrdreg $0xFFFFFFFF  }
0xad: {  	[dreg:$0x0] =	wrdreg $0x60  }
0xae: {  	[dreg:$0x2] =	wrdreg s24  }
0xaf: {  	[dreg:$0x3] =	wrdreg s2  }
0xb0: {  	[dreg:$0x4] =	wrdreg $0x9  }
0xb1: {  	_ =	task.clear_ibuf [dreg:s7], $0x5FFFF;
	_ =	strace $0x90000046  }
0xb2: {  	s29 =	simm.s32 $0x9;
	_ =	strace $0x80000048  }
0xb3: {  	_ =	swait.ge [sflag:s29], $0x1  }
0xb4: {  	[sflag:s29] =	ssyncadd.s32 $0xFFFFFFFF  }
0xb5: {  	_ =	strace $0x90000048  }
0xb6: {  	_ =	sfence  }
0xb7: {  	s30 =	sld [smem:$0x0];
	_ =	sdelay $0x2  }
0xb8: {  	s31 =	sshll.u32 s1, $0xD;
	s1 =	sshrl.u32 s1, $0x2  }
0xb9: {  	s3 =	sand.u32 $0x4000, s31;
	s1 =	sadd.s32 s1, s30  }
0xba: {  	s0 =	sor.u32 s3, s0;
	s1 =	sshll.u32 s1, $0x11  }
0xbb: {  	s0 =	sor.u32 s1, s0  }
0xbc: {  	s0 =	sadd.s32 $0x8F2B, s0  }
0xbd: {  	[sflag:s0] =	ssyncadd.remote.s32 $0x1  }
0xbe: {  	_ =	sfence.sel $0xFFFF  }
0xbf: {  	[dreg:$0x0] =	wrdreg $0xFFFFFFFF;
	(pc) =	sbr.abs _section_cstart, $3  }
0xc0: {  	[dreg:$0x1] =	wrdreg $0xFFFFFFFF  }
0xc1: {  	_ =	task.clear_ibuf [dreg:s7], $0x2FFFF;
	_ =	strace $0x9FFFFFFF  }
0xc2: {  	(tm) =	ssettm $0x7FFFFFFF  }
0xc3: {  	_ =	shalt  }
tec
execute0_lowered:
.L_overlay_start_1:
0x0: {  	(tag) =	ssettag $0x1  }
0x1: {  	s4 =	rddreg [dreg:$0x0]  }
0x2: {  	s2 =	rddreg [dreg:$0x1]  }
0x3: {  	s3 =	srdreg.scid;
	s0 =	rddreg [dreg:$0x2]  }
0x4: {  	s1 =	stileid.u32;
	s9 =	simm.s32 $0x400;
	s10 =	simm.s32 $0x80  }
0x5: {  	s11 =	simm.s32 $0x100;
	s12 =	simm.s32 $0x180;
	s13 =	simm.s32 $0x200  }
0x6: {  	s14 =	simm.s32 $0x280;
	s15 =	simm.s32 $0x300;
	s16 =	simm.s32 $0x380  }
0x7: {  	s17 =	simm.s32 $0x1;
	s18 =	simm.s32 $0x2;
	s19 =	simm.s32 $0x3  }
0x8: {  	s20 =	simm.s32 $0x4;
	s21 =	simm.s32 $0x5;
	s22 =	simm.s32 $0x6  }
0x9: {  	s23 =	simm.s32 $0x7;
	s24 =	simm.s32 $0x8;
	s25 =	simm.s32 $0x2400  }
0xa: {  	s26 =	simm.s32 $0xA;
	s28 =	simm.s32 $0x0;
	s31 =	simm.s32 $0x0  }
0xb: {  	s5 =	sand.u32 $0x1, s3;
	s3 =	simm.s32 $0x0;
	s6 =	sshll.u32 s1, $0x8  }
0xc: {  	s7 =	sshll.u32 s5, $0x7;
	[smem:$0x7FF] =	sst s3;
	s5 =	ssub.s32 $0x2, s5  }
0xd: {  	s6 =	sor.u32 s7, s6;
	_ =	strace $0x80000047;
	s8 =	sshrl.u32 s5, $0x1  }
0xe: {  	s7 =	sshrl.u32 s6, $0x3;
	s6 =	sadd.s32 s6, s4;
	s8 =	ssub.s32 s5, s8  }
0xf: {  	s7 =	sadd.s32 s7, s4;
	s4 =	sadd.s32 $0xA00, s6;
	s6 =	smax.u32 s8, $0x1  }
0x10: {  	v0 =	vimm.f32 $0.0e+00;
	s8 =	simm.s32 $0x40;
	s5 =	sadd.s32 $0x1A00, s7;
	s7 =	simm.s32 $0x9  }
.LBB2_1:
0x11: {  	[tilespmem:s3], [sflag:$0x9] =	stream.linear.gather [hbm4b:s4+s3], $0x400, $0x38;
	[tilespmem:$0x2480] =	vst v63  }
0x12: {  	s29 =	simm.s32 $0x500  }
0x13: {  	[tilespmem:s29+$0xFFFFFF00] =	vst v0  }
0x14: {  	[tilespmem:s29+$0xF0] =	vst v0  }
0x15: {  	[tilespmem:s29+$0xE0] =	vst v0  }
0x16: {  	[tilespmem:s29+$0xD0] =	vst v0  }
0x17: {  	[tilespmem:s29+$0xC0] =	vst v0  }
0x18: {  	[tilespmem:s29+$0xB0] =	vst v0  }
0x19: {  	[tilespmem:s29+$0xA0] =	vst v0  }
0x1a: {  	[tilespmem:s29+$0x90] =	vst v0  }
0x1b: {  	[tilespmem:s29+$0x80] =	vst v0  }
0x1c: {  	[tilespmem:s29+$0x70] =	vst v0  }
0x1d: {  	[tilespmem:s29+$0x60] =	vst v0  }
0x1e: {  	[tilespmem:s29+$0x50] =	vst v0  }
0x1f: {  	[tilespmem:s29+$0x40] =	vst v0  }
0x20: {  	[tilespmem:s29+$0x30] =	vst v0  }
0x21: {  	[tilespmem:s29+$0x20] =	vst v0  }
0x22: {  	[tilespmem:s29+$0x10] =	vst v0  }
0x23: {  	[tilespmem:s29+$0x0] =	vst v0  }
0x24: {  	[tilespmem:s29+$0xFFFFFFF0] =	vst v0  }
0x25: {  	[tilespmem:s29+$0xFFFFFFE0] =	vst v0  }
0x26: {  	[tilespmem:s29+$0xFFFFFFD0] =	vst v0  }
0x27: {  	[tilespmem:s29+$0xFFFFFFC0] =	vst v0  }
0x28: {  	[tilespmem:s29+$0xFFFFFFB0] =	vst v0  }
0x29: {  	[tilespmem:s29+$0xFFFFFFA0] =	vst v0  }
0x2a: {  	[tilespmem:s29+$0xFFFFFF90] =	vst v0  }
0x2b: {  	[tilespmem:s29+$0xFFFFFF80] =	vst v0  }
0x2c: {  	[tilespmem:s29+$0xFFFFFF70] =	vst v0  }
0x2d: {  	[tilespmem:s29+$0xFFFFFF60] =	vst v0  }
0x2e: {  	[tilespmem:s29+$0xFFFFFF50] =	vst v0  }
0x2f: {  	[tilespmem:s29+$0xFFFFFF40] =	vst v0  }
0x30: {  	[tilespmem:s29+$0xFFFFFF30] =	vst v0  }
0x31: {  	s30 =	simm.s32 $0x0;
	[tilespmem:s29+$0xFFFFFF20] =	vst v0  }
.LBB2_2:
0x32: {  	s30 =	sadd.s32 $0x4, s30;
	[tilespmem:s29+$0xFFFFFF10] =	vst v0;
	s29 =	sadd.s32 $0x200, s29  }
0x33: {  	[tilespmem:s29+$0xFFFFFF00] =	vst v0;
	p0 =	slt.u32 s30, $0x3C  }
0x34: {  	[tilespmem:s29+$0xF0] =	vst v0  }
0x35: {  	[tilespmem:s29+$0xE0] =	vst v0  }
0x36: {  	[tilespmem:s29+$0xD0] =	vst v0  }
0x37: {  	[tilespmem:s29+$0xC0] =	vst v0  }
0x38: {  	[tilespmem:s29+$0xB0] =	vst v0  }
0x39: {  	[tilespmem:s29+$0xA0] =	vst v0  }
0x3a: {  	[tilespmem:s29+$0x90] =	vst v0  }
0x3b: {  	[tilespmem:s29+$0x80] =	vst v0  }
0x3c: {  	[tilespmem:s29+$0x70] =	vst v0  }
0x3d: {  	[tilespmem:s29+$0x60] =	vst v0  }
0x3e: {  	[tilespmem:s29+$0x50] =	vst v0  }
0x3f: {  	[tilespmem:s29+$0x40] =	vst v0  }
0x40: {  	[tilespmem:s29+$0x30] =	vst v0  }
0x41: {  	[tilespmem:s29+$0x20] =	vst v0  }
0x42: {  	[tilespmem:s29+$0x10] =	vst v0  }
0x43: {  	[tilespmem:s29+$0x0] =	vst v0  }
0x44: {  	[tilespmem:s29+$0xFFFFFFF0] =	vst v0  }
0x45: {  	[tilespmem:s29+$0xFFFFFFE0] =	vst v0  }
0x46: {  	[tilespmem:s29+$0xFFFFFFD0] =	vst v0  }
0x47: {  	[tilespmem:s29+$0xFFFFFFC0] =	vst v0  }
0x48: {  	[tilespmem:s29+$0xFFFFFFB0] =	vst v0  }
0x49: {  	[tilespmem:s29+$0xFFFFFFA0] =	vst v0  }
0x4a: {  	[tilespmem:s29+$0xFFFFFF90] =	vst v0  }
0x4b: {  	[tilespmem:s29+$0xFFFFFF80] =	vst v0  }
0x4c: {  	[tilespmem:s29+$0xFFFFFF70] =	vst v0  }
.Ltmp0:
0x4d: {  	[tilespmem:s29+$0xFFFFFF60] =	vst v0;
	(pc) =	sbr.rel @p0 .LBB2_2-.Ltmp0, $4  }
0x4e: {  	[tilespmem:s29+$0xFFFFFF50] =	vst v0  }
0x4f: {  	[tilespmem:s29+$0xFFFFFF40] =	vst v0  }
0x50: {  	[tilespmem:s29+$0xFFFFFF30] =	vst v0  }
0x51: {  	[tilespmem:s29+$0xFFFFFF20] =	vst v0  }
0x52: {  	[tilespmem:s29+$0xFFFFFF10] =	vst v0  }
0x53: {  	_ =	swait.ge [sflag:s7], $0x400  }
0x54: {  	[sflag:s7] =	ssyncset.done $0x0  }
0x55: {  	s29 =	simm.s32 $0x0;
	[sflag:s7] =	ssyncadd.s32 $0xFFFFFC00  }
0x56: {  	[tilespmem:s9], [sflag:$0x1] =	stream.indirect.gather.add.f32 [hbm:s2], $0x80, s29, s8, $0xb8;
	[tilespmem:$0x2480] =	vst v63  }
0x57: {  	_ = 	snop  }
0x58: {  	[tilespmem:s9], [sflag:$0x2] =	stream.indirect.gather.add.f32 [hbm:s2], $0x80, s10, s8, $0xb8;
	[tilespmem:$0x2480] =	vst v63  }
0x59: {  	_ = 	snop  }
0x5a: {  	[tilespmem:s9], [sflag:$0x3] =	stream.indirect.gather.add.f32 [hbm:s2], $0x80, s11, s8, $0xb8;
	[tilespmem:$0x2480] =	vst v63  }
0x5b: {  	_ = 	snop  }
0x5c: {  	[tilespmem:s9], [sflag:$0x4] =	stream.indirect.gather.add.f32 [hbm:s2], $0x80, s12, s8, $0xb8;
	[tilespmem:$0x2480] =	vst v63  }
0x5d: {  	_ = 	snop  }
0x5e: {  	[tilespmem:s9], [sflag:$0x5] =	stream.indirect.gather.add.f32 [hbm:s2], $0x80, s13, s8, $0xb8;
	[tilespmem:$0x2480] =	vst v63  }
0x5f: {  	_ = 	snop  }
0x60: {  	[tilespmem:s9], [sflag:$0x6] =	stream.indirect.gather.add.f32 [hbm:s2], $0x80, s14, s8, $0xb8;
	[tilespmem:$0x2480] =	vst v63  }
0x61: {  	_ = 	snop  }
0x62: {  	[tilespmem:s9], [sflag:$0x7] =	stream.indirect.gather.add.f32 [hbm:s2], $0x80, s15, s8, $0xb8;
	[tilespmem:$0x2480] =	vst v63  }
0x63: {  	_ = 	snop  }
0x64: {  	[tilespmem:s9], [sflag:$0x8] =	stream.indirect.gather.add.f32 [hbm:s2], $0x80, s16, s8, $0xb8;
	[tilespmem:$0x2480] =	vst v63  }
0x65: {  	_ =	swait.ge [sflag:s17], $0x2000  }
0x66: {  	[sflag:s17] =	ssyncset.done $0x0  }
0x67: {  	[sflag:s17] =	ssyncadd.s32 $0xFFFFE000  }
0x68: {  	_ =	swait.ge [sflag:s18], $0x2000  }
0x69: {  	[sflag:s18] =	ssyncset.done $0x0  }
0x6a: {  	[sflag:s18] =	ssyncadd.s32 $0xFFFFE000  }
0x6b: {  	_ =	swait.ge [sflag:s19], $0x2000  }
0x6c: {  	[sflag:s19] =	ssyncset.done $0x0  }
0x6d: {  	[sflag:s19] =	ssyncadd.s32 $0xFFFFE000  }
0x6e: {  	_ =	swait.ge [sflag:s20], $0x2000  }
0x6f: {  	[sflag:s20] =	ssyncset.done $0x0  }
0x70: {  	[sflag:s20] =	ssyncadd.s32 $0xFFFFE000  }
0x71: {  	_ =	swait.ge [sflag:s21], $0x2000  }
0x72: {  	[sflag:s21] =	ssyncset.done $0x0  }
0x73: {  	[sflag:s21] =	ssyncadd.s32 $0xFFFFE000  }
0x74: {  	_ =	swait.ge [sflag:s22], $0x2000  }
0x75: {  	[sflag:s22] =	ssyncset.done $0x0  }
0x76: {  	[sflag:s22] =	ssyncadd.s32 $0xFFFFE000  }
0x77: {  	_ =	swait.ge [sflag:s23], $0x2000  }
0x78: {  	[sflag:s23] =	ssyncset.done $0x0  }
0x79: {  	[sflag:s23] =	ssyncadd.s32 $0xFFFFE000  }
0x7a: {  	_ =	swait.ge [sflag:s24], $0x2000  }
0x7b: {  	[sflag:s24] =	ssyncset.done $0x0  }
0x7c: {  	[sflag:s24] =	ssyncadd.s32 $0xFFFFE000  }
0x7d: {  	v1 =	vld [tilespmem:s31+$0x470]  }
0x7e: {  	v3 =	vld [tilespmem:s31+$0x400]  }
0x7f: {  	v4 =	vld [tilespmem:s31+$0x410]  }
0x80: {  	v12 =	vld [tilespmem:s31+$0x420]  }
0x81: {  	v11 =	vld [tilespmem:s31+$0x430]  }
0x82: {  	v2 =	vimm.f32 $0.0e+00;
	v7 =	vimm.f32 $0.0e+00;
	v8 =	vld [tilespmem:s31+$0x440]  }
0x83: {  	v9 =	vimm.f32 $0.0e+00;
	v5 =	vimm.f32 $0.0e+00;
	v10 =	vld [tilespmem:s31+$0x450];
	v1 =	vadd.f32 v1, v2  }
0x84: {  	s30 =	simm.s32 $0x400;
	s29 =	simm.s32 $0x80;
	v13 =	vld [tilespmem:s31+$0x460];
	v6 =	vadd.f32 v3, v2;
	v4 =	vadd.f32 v4, v2;
	v3 =	vimm.f32 $0.0e+00  }
.LBB2_4:
0x85: {  	p0 =	sne.s32 s30, $0x7E00;
	v14 =	vld [tilespmem:s29+$0x470];
	v2 =	vadd.f32 v12, v2  }
0x86: {  	v15 =	vld [tilespmem:s29+$0x400];
	v7 =	vadd.f32 v11, v7  }
0x87: {  	v16 =	vld [tilespmem:s29+$0x410];
	v9 =	vadd.f32 v8, v9  }
.Ltmp1:
0x88: {  	v12 =	vld [tilespmem:s29+$0x420];
	v5 =	vadd.f32 v10, v5;
	(pc) =	sbr.rel @p0 .LBB2_4-.Ltmp1, $4  }
0x89: {  	v11 =	vld [tilespmem:s29+$0x430];
	v3 =	vadd.f32 v13, v3  }
0x8a: {  	v8 =	vld [tilespmem:s29+$0x440];
	v1 =	vadd.f32 v14, v1  }
0x8b: {  	v6 =	vadd.f32 v15, v6;
	v10 =	vld [tilespmem:s29+$0x450]  }
0x8c: {  	v4 =	vadd.f32 v16, v4;
	v13 =	vld [tilespmem:s29+$0x460];
	s29 =	sshra.s32 s30, $0x2;
	s30 =	sadd.s32 $0x200, s30  }
0x8d: {  	v15 =	vld [tilespmem:s29+$0x400]  }
0x8e: {  	v16 =	vld [tilespmem:s29+$0x410]  }
0x8f: {  	v17 =	vld [tilespmem:s29+$0x420]  }
0x90: {  	v18 =	vld [tilespmem:s29+$0x430]  }
0x91: {  	v19 =	vld [tilespmem:s29+$0x440]  }
0x92: {  	v14 =	vld [tilespmem:s29+$0x470];
	v2 =	vadd.f32 v12, v2;
	v6 =	vadd.f32 v15, v6  }
0x93: {  	v61 =	vld [tilespmem:s29+$0x460];
	v7 =	vadd.f32 v11, v7;
	v4 =	vadd.f32 v16, v4  }
0x94: {  	v60 =	vld [tilespmem:s29+$0x450];
	v8 =	vadd.f32 v8, v9;
	v2 =	vadd.f32 v17, v2;
	[tilespmem:$0x2400] =	vst v6  }
0x95: {  	v62 =	vadd.f32 v18, v7;
	[tilespmem:$0x2410] =	vst v4  }
0x96: {  	v3 =	vadd.f32 v13, v3;
	v63 =	vadd.f32 v19, v8;
	[tilespmem:$0x2420] =	vst v2  }
0x97: {  	v5 =	vadd.f32 v10, v5;
	v1 =	vadd.f32 v14, v1;
	[tilespmem:$0x2430] =	vst v62  }
0x98: {  	v3 =	vadd.f32 v61, v3;
	[tilespmem:$0x2440] =	vst v63  }
0x99: {  	s28 =	sadd.s32 $0x1, s28;
	v2 =	vadd.f32 v60, v5;
	[tilespmem:$0x2470] =	vst v1  }
0x9a: {  	p0 =	sne.s32 s28, s6;
	[tilespmem:$0x2460] =	vst v3  }
.Ltmp2:
0x9b: {  	[tilespmem:$0x2450] =	vst v2;
	(pc) =	sbr.rel @p0 .LBB2_1-.Ltmp2, $4  }
0x9c: {  	[hbm4b:s5+s3] =	stream.linear.scatter [tilespmem:s25], [sflag:$0xA], $0x80, $0x38;
	[tilespmem:$0x2480] =	vst v63  }
0x9d: {  	_ =	swait.ge [sflag:s26], $0x80  }
0x9e: {  	[sflag:s26] =	ssyncset.done $0x0  }
0x9f: {  	[sflag:s26] =	ssyncadd.s32 $0xFFFFFF80  }
0xa0: {  	_ =	sfence.sel $0x180000  }
0xa1: {  	[bflag:$0x0] =	sbarrier.arrive $0xFFFF  }
0xa2: {  	p0 =	sne.s32 s1, $0x0;
	_ =	strace $0x90000047  }
0xa3: {  	s0 =	sadd.s32 @!p0 $0x100000, s0;
	[bflag:$0x2] =	sbarrier.arrive $0xFFFF  }
0xa4: {  	[sflag:s0] =	ssyncadd.tile.s32 @!p0 $0x1;
	_ =	shalt  }
.Lfunc_end2:
_tile_overlayer_lowered:
.L_overlay_start_2:
0xa5: {  	(tag) =	ssettag $0x2  }
0xa6: {  	s0 =	rddreg [dreg:$0x0];
	s2 =	stileid.u32  }
0xa7: {  	s1 =	rddreg [dreg:$0x1];
	p0 =	sne.s32 s2, $0x0  }
0xa8: {  	s3 =	rddreg [dreg:$0x2];
	[bflag:$0x3] =	sbarrier.arrive $0xFFFF;
	s2 =	simm.s32 @!p0 $0x1C0A  }
0xa9: {  	[timem:s3], [sflag:s2] =	dma.local @!p0 [hbm:s0], s1  }
0xaa: {  	s0 =	simm.s32 @!p0 $0xA  }
0xab: {  	_ =	swait.ge @!p0 [sflag:s0], s1  }
0xac: {  	s1 =	ssub.s32 @!p0 $0x0, s1;
	[sflag:s0] =	ssyncset.done @!p0 $0x0  }
0xad: {  	[sflag:s0] =	ssyncadd.s32 @!p0 s1  }
0xae: {  	[bflag:$0x3] =	sbarrier.arrive $0xFFFF  }
0xaf: {  	_ =	shalt  }

</sc_bundles>
